<compile_context>
chip_gen: v7x
topology: tpu7x:2x2x1
jax: 0.10.2.dev20260603
libtpu: 0.0.44.dev20260713+nightly
codegen_flags: <defaults>
</compile_context>

<pallas_src>
import functools

import jax
import jax.numpy as jnp
from jax import lax
from jax.experimental import pallas as pl
from jax.experimental.pallas import tpu as pltpu
from jax.experimental.pallas import tpu_sc as plsc

SENT = 200
EMB = 128
NCLS = 100000
BLK = 20000
NB = NCLS // BLK
CHUNK = 8
NWORK = SENT // CHUNK


def _sc_gather_sum(idx_hbm, table_hbm, out_hbm, idx_v, rows_v, acc_v, sem):
    wid = lax.axis_index("s") * 2 + lax.axis_index("c")

    @pl.when(wid < NWORK)
    def _():
        pltpu.sync_copy(idx_hbm.at[pl.ds(wid * CHUNK, CHUNK)], idx_v)
        pltpu.async_copy(table_hbm.at[idx_v], rows_v, sem).wait()
        for d in range(EMB // 16):
            v = rows_v[0, pl.ds(d * 16, 16)]
            for r in range(1, CHUNK):
                v = v + rows_v[r, pl.ds(d * 16, 16)]
            acc_v[0, pl.ds(d * 16, 16)] = v
        pltpu.sync_copy(acc_v, out_hbm.at[pl.ds(wid, 1)])


_gather_sum = functools.partial(
    pl.kernel,
    mesh=plsc.VectorSubcoreMesh(core_axis_name="c", subcore_axis_name="s"),
    out_type=jax.ShapeDtypeStruct((NWORK, EMB), jnp.float32),
    scratch_types=[
        pltpu.VMEM((CHUNK,), jnp.int32),
        pltpu.VMEM((CHUNK, EMB), jnp.float32),
        pltpu.VMEM((1, EMB), jnp.float32),
        pltpu.SemaphoreType.DMA,
    ],
)(_sc_gather_sum)


def _tc_matvec_lse(part_ref, w_ref, b_ref, out_ref, mv_ref, sv_ref):
    j = pl.program_id(0)
    e = jnp.sum(part_ref[...], axis=0, keepdims=True)
    logits = lax.dot_general(
        e, w_ref[...], (((1,), (1,)), ((), ())),
        preferred_element_type=jnp.float32,
    ) + b_ref[pl.ds(j, 1), :]
    out_ref[pl.ds(j, 1), :] = logits

    @pl.when(j == 0)
    def _():
        mv_ref[...] = jnp.full((1, BLK), -jnp.inf, jnp.float32)
        sv_ref[...] = jnp.zeros((1, BLK), jnp.float32)

    mv_old = mv_ref[...]
    mv_new = jnp.maximum(mv_old, logits)
    sv_ref[...] = (sv_ref[...] * jnp.exp(mv_old - mv_new)
                   + jnp.exp(logits - mv_new))
    mv_ref[...] = mv_new

    @pl.when(j == NB - 1)
    def _():
        mv = mv_ref[...]
        m = jnp.max(mv)
        s = jnp.sum(sv_ref[...] * jnp.exp(mv - m))
        out_ref[...] = out_ref[...] - (m + jnp.log(s))


def kernel(indices, emb_table, W0, b0, W1, b1, W2, b2):
    del W0, b0, W1, b1
    idx = indices.astype(jnp.int32)
    partials = _gather_sum(idx, emb_table)
    out = pl.pallas_call(
        _tc_matvec_lse,
        grid=(NB,),
        in_specs=[
            pl.BlockSpec((NWORK, EMB), lambda j: (0, 0)),
            pl.BlockSpec((BLK, EMB), lambda j: (j, 0)),
            pl.BlockSpec((NB, BLK), lambda j: (0, 0)),
        ],
        out_specs=pl.BlockSpec((NB, BLK), lambda j: (0, 0)),
        out_shape=jax.ShapeDtypeStruct((NB, BLK), jnp.float32),
        scratch_shapes=[
            pltpu.VMEM((1, BLK), jnp.float32),
            pltpu.VMEM((1, BLK), jnp.float32),
        ],
    )(partials, W2, b2.reshape(NB, BLK))
    return out.reshape(1, NCLS)

# --- scband reference (transcript-rebuilt; emitter-appended) ---
"""Pipeline reference for scband-cbow-42322607735004 (READ-ONLY COPY).

The authoritative reference and input builder live on the scoring server;
editing this copy changes nothing except your own understanding.
"""

import jax, jax.numpy as jnp
import numpy as np

VOCAB = 100000
NUM_CLASSES = 100000
EMB_DIM = 128
HIDDEN = 128
SENT_LEN = 200

def setup_inputs(seed: int = 0) -> dict:
    key = jax.random.key(seed)
    k_idx, k_emb, k0, k0b, k1, k1b, k2, k2b = jax.random.split(key, 8)
    indices = jax.random.randint(k_idx, (SENT_LEN,), 0, VOCAB, dtype=jnp.int64 if jax.config.jax_enable_x64 else jnp.int32)
    emb_table = jax.random.normal(k_emb, (VOCAB, EMB_DIM), dtype=jnp.float32) * 0.02
    W0 = jax.random.normal(k0, (HIDDEN, EMB_DIM), dtype=jnp.float32) * 0.02
    b0 = jnp.zeros((HIDDEN,), dtype=jnp.float32)
    W1 = jax.random.normal(k1, (HIDDEN, HIDDEN), dtype=jnp.float32) * 0.02
    b1 = jnp.zeros((HIDDEN,), dtype=jnp.float32)
    W2 = jax.random.normal(k2, (NUM_CLASSES, HIDDEN), dtype=jnp.float32) * 0.02
    b2 = jnp.zeros((NUM_CLASSES,), dtype=jnp.float32)
    return {"indices": indices, "emb_table": emb_table, "W0": W0, "b0": b0, "W1": W1, "b1": b1, "W2": W2, "b2": b2}

def reference(indices, emb_table, W0, b0, W1, b1, W2, b2):
    # embedding lookup + sum over sentence tokens (sum(self.embeddings(indices)))
    embeds = jnp.sum(jnp.take(emb_table, indices, axis=0), axis=0).reshape(1, -1)
    # Faithful reproduction of the original forward's bug: every layer is
    # applied to `embeds`, not to the previous layer's output; only the last
    # layer's result is returned.
    out = jax.nn.relu(embeds @ W0.T + b0)
    out = jax.nn.relu(embeds @ W1.T + b1)
    out = jax.nn.log_softmax(embeds @ W2.T + b2, axis=1)
    return out

if __name__ == "__main__":
    import jax
    _d = setup_inputs()
    print(jax.jit(kernel)(*tuple(_d.values())))

</pallas_src>

<mosaic_0001>
#map = affine_map<(d0, d1) -> (0)>
#map1 = affine_map<(d0, d1) -> (0, 0)>
module attributes {stable_mosaic.version = 14 : i64} {
  func.func @_sc_gather_sum(%arg0: i32, %arg1: i32, %arg2: memref<200xi32, #tpu.memory_space<hbm>>, %arg3: memref<100000x128xf32, #tpu.memory_space<hbm>>, %arg4: memref<25x128xf32, #tpu.memory_space<hbm>>, %arg5: memref<8xi32, #tpu.memory_space<vmem>>, %arg6: memref<8x128xf32, #tpu.memory_space<vmem>>, %arg7: memref<1x128xf32, #tpu.memory_space<vmem>>, %arg8: memref<!tpu.dma_semaphore, #tpu.memory_space<semaphore_mem>>) attributes {dimension_semantics = [#tpu.dimension_semantics<core_parallel>, #tpu.dimension_semantics<subcore_parallel>], iteration_bounds = array<i64: 2, 16>, scalar_prefetch = 0 : i64, scratch_operands = 4 : i64, tpu.core_type = #tpu.core_type<sc_vector_subcore>, window_params = [{transform_indices = #map}, {transform_indices = #map1}, {transform_indices = #map1}]} {
    %mul3A = arith.constant 2 : i32
    %mul3A_0 = arith.muli %arg1, %mul3A : i32
    %add3A = arith.addi %mul3A_0, %arg0 : i32
    %lt3A = arith.constant 25 : i32
    %lt3A_1 = arith.cmpi slt, %add3A, %lt3A : i32
    %convert_element_type3A = arith.extui %lt3A_1 : i1 to i32
    %cond3A = arith.constant 0 : i32
    %cond3A_2 = arith.cmpi ne, %convert_element_type3A, %cond3A : i32
    scf.if %cond3A_2 {
      %mul3A_3 = arith.constant 8 : i32
      %mul3A_4 = arith.muli %add3A, %mul3A_3 : i32
      "tpu.region"() ({
        %run_scoped3A = tpu.sem_alloc : memref<!tpu.dma_semaphore, #tpu.memory_space<semaphore_mem>>
        %dma_start3A_431 = tpu.memref_slice %arg2[%mul3A_4] : memref<200xi32, #tpu.memory_space<hbm>> -> memref<8xi32, #tpu.memory_space<hbm>>
        %dma_start3A_432 = tpu.memref_slice %arg2[%mul3A_4] : memref<200xi32, #tpu.memory_space<hbm>> -> memref<8xi32, #tpu.memory_space<hbm>>
        tpu.enqueue_dma source(%dma_start3A_432 : memref<8xi32, #tpu.memory_space<hbm>>) target(%arg5 : memref<8xi32, #tpu.memory_space<vmem>>) target_semaphore(%run_scoped3A : memref<!tpu.dma_semaphore, #tpu.memory_space<semaphore_mem>>)
        %dma_wait3A_433 = tpu.memref_slice %arg2[%mul3A_4] : memref<200xi32, #tpu.memory_space<hbm>> -> memref<8xi32, #tpu.memory_space<hbm>>
        %dma_wait3A_434 = tpu.memref_slice %arg2[%mul3A_4] : memref<200xi32, #tpu.memory_space<hbm>> -> memref<8xi32, #tpu.memory_space<hbm>>
        tpu.wait_dma2 semaphore(%run_scoped3A : memref<!tpu.dma_semaphore, #tpu.memory_space<semaphore_mem>>) src(%dma_wait3A_434 : memref<8xi32, #tpu.memory_space<hbm>>) dst(%arg5 : memref<8xi32, #tpu.memory_space<vmem>>)
        tpu.yield
      }) : () -> ()
      %dma_start3A = arith.constant 0 : i32
      %dma_start3A_5 = arith.constant 0 : i32
      %dma_start3A_6 = tpu.memref_slice %arg3[%dma_start3A, %dma_start3A_5] : memref<100000x128xf32, #tpu.memory_space<hbm>> -> memref<100000x128xf32, #tpu.memory_space<hbm>>
      tpu.enqueue_indirect_dma source(%dma_start3A_6 : memref<100000x128xf32, #tpu.memory_space<hbm>>) target(%arg6 : memref<8x128xf32, #tpu.memory_space<vmem>>) offsets(%arg5 : memref<8xi32, #tpu.memory_space<vmem>>) semaphore(%arg8 : memref<!tpu.dma_semaphore, #tpu.memory_space<semaphore_mem>>)
      %dma_wait3A = arith.constant 0 : i32
      %dma_wait3A_7 = arith.constant 0 : i32
      %dma_wait3A_8 = tpu.memref_slice %arg3[%dma_wait3A, %dma_wait3A_7] : memref<100000x128xf32, #tpu.memory_space<hbm>> -> memref<100000x128xf32, #tpu.memory_space<hbm>>
      tpu.wait_indirect_dma semaphore(%arg8 : memref<!tpu.dma_semaphore, #tpu.memory_space<semaphore_mem>>) src(%dma_wait3A_8 : memref<100000x128xf32, #tpu.memory_space<hbm>>) dst(%arg6 : memref<8x128xf32, #tpu.memory_space<vmem>>)
      %get3A = arith.constant 0 : i32
      %get3A_9 = arith.index_cast %get3A : i32 to index
      %get3A_10 = arith.constant 0 : index
      %get3A_11 = tpu.vector_load %arg6[%get3A_9, %get3A_10] {strides = array<i32>} : memref<8x128xf32, #tpu.memory_space<vmem>>, vector<1x16xf32>,
      %get3A_12 = vector.shape_cast %get3A_11 : vector<1x16xf32> to vector<16xf32>
      %get3A_13 = arith.constant 1 : i32
      %get3A_14 = arith.index_cast %get3A_13 : i32 to index
      %get3A_15 = arith.constant 0 : index
      %get3A_16 = tpu.vector_load %arg6[%get3A_14, %get3A_15] {strides = array<i32>} : memref<8x128xf32, #tpu.memory_space<vmem>>, vector<1x16xf32>,
      %get3A_17 = vector.shape_cast %get3A_16 : vector<1x16xf32> to vector<16xf32>
      %add3A_18 = arith.addf %get3A_12, %get3A_17 : vector<16xf32>
      %get3A_19 = arith.constant 2 : i32
      %get3A_20 = arith.index_cast %get3A_19 : i32 to index
      %get3A_21 = arith.constant 0 : index
      %get3A_22 = tpu.vector_load %arg6[%get3A_20, %get3A_21] {strides = array<i32>} : memref<8x128xf32, #tpu.memory_space<vmem>>, vector<1x16xf32>,
      %get3A_23 = vector.shape_cast %get3A_22 : vector<1x16xf32> to vector<16xf32>
      %add3A_24 = arith.addf %add3A_18, %get3A_23 : vector<16xf32>
      %get3A_25 = arith.constant 3 : i32
      %get3A_26 = arith.index_cast %get3A_25 : i32 to index
      %get3A_27 = arith.constant 0 : index
      %get3A_28 = tpu.vector_load %arg6[%get3A_26, %get3A_27] {strides = array<i32>} : memref<8x128xf32, #tpu.memory_space<vmem>>, vector<1x16xf32>,
      %get3A_29 = vector.shape_cast %get3A_28 : vector<1x16xf32> to vector<16xf32>
      %add3A_30 = arith.addf %add3A_24, %get3A_29 : vector<16xf32>
      %get3A_31 = arith.constant 4 : i32
      %get3A_32 = arith.index_cast %get3A_31 : i32 to index
      %get3A_33 = arith.constant 0 : index
      %get3A_34 = tpu.vector_load %arg6[%get3A_32, %get3A_33] {strides = array<i32>} : memref<8x128xf32, #tpu.memory_space<vmem>>, vector<1x16xf32>,
      %get3A_35 = vector.shape_cast %get3A_34 : vector<1x16xf32> to vector<16xf32>
      %add3A_36 = arith.addf %add3A_30, %get3A_35 : vector<16xf32>
      %get3A_37 = arith.constant 5 : i32
      %get3A_38 = arith.index_cast %get3A_37 : i32 to index
      %get3A_39 = arith.constant 0 : index
      %get3A_40 = tpu.vector_load %arg6[%get3A_38, %get3A_39] {strides = array<i32>} : memref<8x128xf32, #tpu.memory_space<vmem>>, vector<1x16xf32>,
      %get3A_41 = vector.shape_cast %get3A_40 : vector<1x16xf32> to vector<16xf32>
      %add3A_42 = arith.addf %add3A_36, %get3A_41 : vector<16xf32>
      %get3A_43 = arith.constant 6 : i32
      %get3A_44 = arith.index_cast %get3A_43 : i32 to index
      %get3A_45 = arith.constant 0 : index
      %get3A_46 = tpu.vector_load %arg6[%get3A_44, %get3A_45] {strides = array<i32>} : memref<8x128xf32, #tpu.memory_space<vmem>>, vector<1x16xf32>,
      %get3A_47 = vector.shape_cast %get3A_46 : vector<1x16xf32> to vector<16xf32>
      %add3A_48 = arith.addf %add3A_42, %get3A_47 : vector<16xf32>
      %get3A_49 = arith.constant 7 : i32
      %get3A_50 = arith.index_cast %get3A_49 : i32 to index
      %get3A_51 = arith.constant 0 : index
      %get3A_52 = tpu.vector_load %arg6[%get3A_50, %get3A_51] {strides = array<i32>} : memref<8x128xf32, #tpu.memory_space<vmem>>, vector<1x16xf32>,
      %get3A_53 = vector.shape_cast %get3A_52 : vector<1x16xf32> to vector<16xf32>
      %add3A_54 = arith.addf %add3A_48, %get3A_53 : vector<16xf32>
      %swap3A = arith.constant 0 : i32
      %swap3A_55 = arith.index_cast %swap3A : i32 to index
      %swap3A_56 = arith.constant 0 : index
      %swap3A_57 = tpu.vector_load %arg7[%swap3A_55, %swap3A_56] {strides = array<i32>} : memref<1x128xf32, #tpu.memory_space<vmem>>, vector<1x16xf32>,
      %swap3A_58 = vector.shape_cast %swap3A_57 : vector<1x16xf32> to vector<16xf32>
      %swap3A_59 = vector.shape_cast %add3A_54 : vector<16xf32> to vector<1x16xf32>
      tpu.vector_store %arg7[%swap3A_55, %swap3A_56], %swap3A_59 {strides = array<i32>} : memref<1x128xf32, #tpu.memory_space<vmem>>, vector<1x16xf32>,
      %get3A_60 = arith.constant 0 : i32
      %get3A_61 = arith.index_cast %get3A_60 : i32 to index
      %get3A_62 = arith.constant 16 : index
      %get3A_63 = tpu.vector_load %arg6[%get3A_61, %get3A_62] {strides = array<i32>} : memref<8x128xf32, #tpu.memory_space<vmem>>, vector<1x16xf32>,
      %get3A_64 = vector.shape_cast %get3A_63 : vector<1x16xf32> to vector<16xf32>
      %get3A_65 = arith.constant 1 : i32
      %get3A_66 = arith.index_cast %get3A_65 : i32 to index
      %get3A_67 = arith.constant 16 : index
      %get3A_68 = tpu.vector_load %arg6[%get3A_66, %get3A_67] {strides = array<i32>} : memref<8x128xf32, #tpu.memory_space<vmem>>, vector<1x16xf32>,
      %get3A_69 = vector.shape_cast %get3A_68 : vector<1x16xf32> to vector<16xf32>
      %add3A_70 = arith.addf %get3A_64, %get3A_69 : vector<16xf32>
      %get3A_71 = arith.constant 2 : i32
      %get3A_72 = arith.index_cast %get3A_71 : i32 to index
      %get3A_73 = arith.constant 16 : index
      %get3A_74 = tpu.vector_load %arg6[%get3A_72, %get3A_73] {strides = array<i32>} : memref<8x128xf32, #tpu.memory_space<vmem>>, vector<1x16xf32>,
      %get3A_75 = vector.shape_cast %get3A_74 : vector<1x16xf32> to vector<16xf32>
      %add3A_76 = arith.addf %add3A_70, %get3A_75 : vector<16xf32>
      %get3A_77 = arith.constant 3 : i32
      %get3A_78 = arith.index_cast %get3A_77 : i32 to index
      %get3A_79 = arith.constant 16 : index
      %get3A_80 = tpu.vector_load %arg6[%get3A_78, %get3A_79] {strides = array<i32>} : memref<8x128xf32, #tpu.memory_space<vmem>>, vector<1x16xf32>,
      %get3A_81 = vector.shape_cast %get3A_80 : vector<1x16xf32> to vector<16xf32>
      %add3A_82 = arith.addf %add3A_76, %get3A_81 : vector<16xf32>
      %get3A_83 = arith.constant 4 : i32
      %get3A_84 = arith.index_cast %get3A_83 : i32 to index
      %get3A_85 = arith.constant 16 : index
      %get3A_86 = tpu.vector_load %arg6[%get3A_84, %get3A_85] {strides = array<i32>} : memref<8x128xf32, #tpu.memory_space<vmem>>, vector<1x16xf32>,
      %get3A_87 = vector.shape_cast %get3A_86 : vector<1x16xf32> to vector<16xf32>
      %add3A_88 = arith.addf %add3A_82, %get3A_87 : vector<16xf32>
      %get3A_89 = arith.constant 5 : i32
      %get3A_90 = arith.index_cast %get3A_89 : i32 to index
      %get3A_91 = arith.constant 16 : index
      %get3A_92 = tpu.vector_load %arg6[%get3A_90, %get3A_91] {strides = array<i32>} : memref<8x128xf32, #tpu.memory_space<vmem>>, vector<1x16xf32>,
      %get3A_93 = vector.shape_cast %get3A_92 : vector<1x16xf32> to vector<16xf32>
      %add3A_94 = arith.addf %add3A_88, %get3A_93 : vector<16xf32>
      %get3A_95 = arith.constant 6 : i32
      %get3A_96 = arith.index_cast %get3A_95 : i32 to index
      %get3A_97 = arith.constant 16 : index
      %get3A_98 = tpu.vector_load %arg6[%get3A_96, %get3A_97] {strides = array<i32>} : memref<8x128xf32, #tpu.memory_space<vmem>>, vector<1x16xf32>,
      %get3A_99 = vector.shape_cast %get3A_98 : vector<1x16xf32> to vector<16xf32>
      %add3A_100 = arith.addf %add3A_94, %get3A_99 : vector<16xf32>
      %get3A_101 = arith.constant 7 : i32
      %get3A_102 = arith.index_cast %get3A_101 : i32 to index
      %get3A_103 = arith.constant 16 : index
      %get3A_104 = tpu.vector_load %arg6[%get3A_102, %get3A_103] {strides = array<i32>} : memref<8x128xf32, #tpu.memory_space<vmem>>, vector<1x16xf32>,
      %get3A_105 = vector.shape_cast %get3A_104 : vector<1x16xf32> to vector<16xf32>
      %add3A_106 = arith.addf %add3A_100, %get3A_105 : vector<16xf32>
      %swap3A_107 = arith.constant 0 : i32
      %swap3A_108 = arith.index_cast %swap3A_107 : i32 to index
      %swap3A_109 = arith.constant 16 : index
      %swap3A_110 = tpu.vector_load %arg7[%swap3A_108, %swap3A_109] {strides = array<i32>} : memref<1x128xf32, #tpu.memory_space<vmem>>, vector<1x16xf32>,
      %swap3A_111 = vector.shape_cast %swap3A_110 : vector<1x16xf32> to vector<16xf32>
      %swap3A_112 = vector.shape_cast %add3A_106 : vector<16xf32> to vector<1x16xf32>
      tpu.vector_store %arg7[%swap3A_108, %swap3A_109], %swap3A_112 {strides = array<i32>} : memref<1x128xf32, #tpu.memory_space<vmem>>, vector<1x16xf32>,
      %get3A_113 = arith.constant 0 : i32
      %get3A_114 = arith.index_cast %get3A_113 : i32 to index
      %get3A_115 = arith.constant 32 : index
      %get3A_116 = tpu.vector_load %arg6[%get3A_114, %get3A_115] {strides = array<i32>} : memref<8x128xf32, #tpu.memory_space<vmem>>, vector<1x16xf32>,
      %get3A_117 = vector.shape_cast %get3A_116 : vector<1x16xf32> to vector<16xf32>
      %get3A_118 = arith.constant 1 : i32
      %get3A_119 = arith.index_cast %get3A_118 : i32 to index
      %get3A_120 = arith.constant 32 : index
      %get3A_121 = tpu.vector_load %arg6[%get3A_119, %get3A_120] {strides = array<i32>} : memref<8x128xf32, #tpu.memory_space<vmem>>, vector<1x16xf32>,
      %get3A_122 = vector.shape_cast %get3A_121 : vector<1x16xf32> to vector<16xf32>
      %add3A_123 = arith.addf %get3A_117, %get3A_122 : vector<16xf32>
      %get3A_124 = arith.constant 2 : i32
      %get3A_125 = arith.index_cast %get3A_124 : i32 to index
      %get3A_126 = arith.constant 32 : index
      %get3A_127 = tpu.vector_load %arg6[%get3A_125, %get3A_126] {strides = array<i32>} : memref<8x128xf32, #tpu.memory_space<vmem>>, vector<1x16xf32>,
      %get3A_128 = vector.shape_cast %get3A_127 : vector<1x16xf32> to vector<16xf32>
      %add3A_129 = arith.addf %add3A_123, %get3A_128 : vector<16xf32>
      %get3A_130 = arith.constant 3 : i32
      %get3A_131 = arith.index_cast %get3A_130 : i32 to index
      %get3A_132 = arith.constant 32 : index
      %get3A_133 = tpu.vector_load %arg6[%get3A_131, %get3A_132] {strides = array<i32>} : memref<8x128xf32, #tpu.memory_space<vmem>>, vector<1x16xf32>,
      %get3A_134 = vector.shape_cast %get3A_133 : vector<1x16xf32> to vector<16xf32>
      %add3A_135 = arith.addf %add3A_129, %get3A_134 : vector<16xf32>
      %get3A_136 = arith.constant 4 : i32
      %get3A_137 = arith.index_cast %get3A_136 : i32 to index
      %get3A_138 = arith.constant 32 : index
      %get3A_139 = tpu.vector_load %arg6[%get3A_137, %get3A_138] {strides = array<i32>} : memref<8x128xf32, #tpu.memory_space<vmem>>, vector<1x16xf32>,
      %get3A_140 = vector.shape_cast %get3A_139 : vector<1x16xf32> to vector<16xf32>
      %add3A_141 = arith.addf %add3A_135, %get3A_140 : vector<16xf32>
      %get3A_142 = arith.constant 5 : i32
      %get3A_143 = arith.index_cast %get3A_142 : i32 to index
      %get3A_144 = arith.constant 32 : index
      %get3A_145 = tpu.vector_load %arg6[%get3A_143, %get3A_144] {strides = array<i32>} : memref<8x128xf32, #tpu.memory_space<vmem>>, vector<1x16xf32>,
      %get3A_146 = vector.shape_cast %get3A_145 : vector<1x16xf32> to vector<16xf32>
      %add3A_147 = arith.addf %add3A_141, %get3A_146 : vector<16xf32>
      %get3A_148 = arith.constant 6 : i32
      %get3A_149 = arith.index_cast %get3A_148 : i32 to index
      %get3A_150 = arith.constant 32 : index
      %get3A_151 = tpu.vector_load %arg6[%get3A_149, %get3A_150] {strides = array<i32>} : memref<8x128xf32, #tpu.memory_space<vmem>>, vector<1x16xf32>,
      %get3A_152 = vector.shape_cast %get3A_151 : vector<1x16xf32> to vector<16xf32>
      %add3A_153 = arith.addf %add3A_147, %get3A_152 : vector<16xf32>
      %get3A_154 = arith.constant 7 : i32
      %get3A_155 = arith.index_cast %get3A_154 : i32 to index
      %get3A_156 = arith.constant 32 : index
      %get3A_157 = tpu.vector_load %arg6[%get3A_155, %get3A_156] {strides = array<i32>} : memref<8x128xf32, #tpu.memory_space<vmem>>, vector<1x16xf32>,
      %get3A_158 = vector.shape_cast %get3A_157 : vector<1x16xf32> to vector<16xf32>
      %add3A_159 = arith.addf %add3A_153, %get3A_158 : vector<16xf32>
      %swap3A_160 = arith.constant 0 : i32
      %swap3A_161 = arith.index_cast %swap3A_160 : i32 to index
      %swap3A_162 = arith.constant 32 : index
      %swap3A_163 = tpu.vector_load %arg7[%swap3A_161, %swap3A_162] {strides = array<i32>} : memref<1x128xf32, #tpu.memory_space<vmem>>, vector<1x16xf32>,
      %swap3A_164 = vector.shape_cast %swap3A_163 : vector<1x16xf32> to vector<16xf32>
      %swap3A_165 = vector.shape_cast %add3A_159 : vector<16xf32> to vector<1x16xf32>
      tpu.vector_store %arg7[%swap3A_161, %swap3A_162], %swap3A_165 {strides = array<i32>} : memref<1x128xf32, #tpu.memory_space<vmem>>, vector<1x16xf32>,
      %get3A_166 = arith.constant 0 : i32
      %get3A_167 = arith.index_cast %get3A_166 : i32 to index
      %get3A_168 = arith.constant 48 : index
      %get3A_169 = tpu.vector_load %arg6[%get3A_167, %get3A_168] {strides = array<i32>} : memref<8x128xf32, #tpu.memory_space<vmem>>, vector<1x16xf32>,
      %get3A_170 = vector.shape_cast %get3A_169 : vector<1x16xf32> to vector<16xf32>
      %get3A_171 = arith.constant 1 : i32
      %get3A_172 = arith.index_cast %get3A_171 : i32 to index
      %get3A_173 = arith.constant 48 : index
      %get3A_174 = tpu.vector_load %arg6[%get3A_172, %get3A_173] {strides = array<i32>} : memref<8x128xf32, #tpu.memory_space<vmem>>, vector<1x16xf32>,
      %get3A_175 = vector.shape_cast %get3A_174 : vector<1x16xf32> to vector<16xf32>
      %add3A_176 = arith.addf %get3A_170, %get3A_175 : vector<16xf32>
      %get3A_177 = arith.constant 2 : i32
      %get3A_178 = arith.index_cast %get3A_177 : i32 to index
      %get3A_179 = arith.constant 48 : index
      %get3A_180 = tpu.vector_load %arg6[%get3A_178, %get3A_179] {strides = array<i32>} : memref<8x128xf32, #tpu.memory_space<vmem>>, vector<1x16xf32>,
      %get3A_181 = vector.shape_cast %get3A_180 : vector<1x16xf32> to vector<16xf32>
      %add3A_182 = arith.addf %add3A_176, %get3A_181 : vector<16xf32>
      %get3A_183 = arith.constant 3 : i32
      %get3A_184 = arith.index_cast %get3A_183 : i32 to index
      %get3A_185 = arith.constant 48 : index
      %get3A_186 = tpu.vector_load %arg6[%get3A_184, %get3A_185] {strides = array<i32>} : memref<8x128xf32, #tpu.memory_space<vmem>>, vector<1x16xf32>,
      %get3A_187 = vector.shape_cast %get3A_186 : vector<1x16xf32> to vector<16xf32>
      %add3A_188 = arith.addf %add3A_182, %get3A_187 : vector<16xf32>
      %get3A_189 = arith.constant 4 : i32
      %get3A_190 = arith.index_cast %get3A_189 : i32 to index
      %get3A_191 = arith.constant 48 : index
      %get3A_192 = tpu.vector_load %arg6[%get3A_190, %get3A_191] {strides = array<i32>} : memref<8x128xf32, #tpu.memory_space<vmem>>, vector<1x16xf32>,
      %get3A_193 = vector.shape_cast %get3A_192 : vector<1x16xf32> to vector<16xf32>
      %add3A_194 = arith.addf %add3A_188, %get3A_193 : vector<16xf32>
      %get3A_195 = arith.constant 5 : i32
      %get3A_196 = arith.index_cast %get3A_195 : i32 to index
      %get3A_197 = arith.constant 48 : index
      %get3A_198 = tpu.vector_load %arg6[%get3A_196, %get3A_197] {strides = array<i32>} : memref<8x128xf32, #tpu.memory_space<vmem>>, vector<1x16xf32>,
      %get3A_199 = vector.shape_cast %get3A_198 : vector<1x16xf32> to vector<16xf32>
      %add3A_200 = arith.addf %add3A_194, %get3A_199 : vector<16xf32>
      %get3A_201 = arith.constant 6 : i32
      %get3A_202 = arith.index_cast %get3A_201 : i32 to index
      %get3A_203 = arith.constant 48 : index
      %get3A_204 = tpu.vector_load %arg6[%get3A_202, %get3A_203] {strides = array<i32>} : memref<8x128xf32, #tpu.memory_space<vmem>>, vector<1x16xf32>,
      %get3A_205 = vector.shape_cast %get3A_204 : vector<1x16xf32> to vector<16xf32>
      %add3A_206 = arith.addf %add3A_200, %get3A_205 : vector<16xf32>
      %get3A_207 = arith.constant 7 : i32
      %get3A_208 = arith.index_cast %get3A_207 : i32 to index
      %get3A_209 = arith.constant 48 : index
      %get3A_210 = tpu.vector_load %arg6[%get3A_208, %get3A_209] {strides = array<i32>} : memref<8x128xf32, #tpu.memory_space<vmem>>, vector<1x16xf32>,
      %get3A_211 = vector.shape_cast %get3A_210 : vector<1x16xf32> to vector<16xf32>
      %add3A_212 = arith.addf %add3A_206, %get3A_211 : vector<16xf32>
      %swap3A_213 = arith.constant 0 : i32
      %swap3A_214 = arith.index_cast %swap3A_213 : i32 to index
      %swap3A_215 = arith.constant 48 : index
      %swap3A_216 = tpu.vector_load %arg7[%swap3A_214, %swap3A_215] {strides = array<i32>} : memref<1x128xf32, #tpu.memory_space<vmem>>, vector<1x16xf32>,
      %swap3A_217 = vector.shape_cast %swap3A_216 : vector<1x16xf32> to vector<16xf32>
      %swap3A_218 = vector.shape_cast %add3A_212 : vector<16xf32> to vector<1x16xf32>
      tpu.vector_store %arg7[%swap3A_214, %swap3A_215], %swap3A_218 {strides = array<i32>} : memref<1x128xf32, #tpu.memory_space<vmem>>, vector<1x16xf32>,
      %get3A_219 = arith.constant 0 : i32
      %get3A_220 = arith.index_cast %get3A_219 : i32 to index
      %get3A_221 = arith.constant 64 : index
      %get3A_222 = tpu.vector_load %arg6[%get3A_220, %get3A_221] {strides = array<i32>} : memref<8x128xf32, #tpu.memory_space<vmem>>, vector<1x16xf32>,
      %get3A_223 = vector.shape_cast %get3A_222 : vector<1x16xf32> to vector<16xf32>
      %get3A_224 = arith.constant 1 : i32
      %get3A_225 = arith.index_cast %get3A_224 : i32 to index
      %get3A_226 = arith.constant 64 : index
      %get3A_227 = tpu.vector_load %arg6[%get3A_225, %get3A_226] {strides = array<i32>} : memref<8x128xf32, #tpu.memory_space<vmem>>, vector<1x16xf32>,
      %get3A_228 = vector.shape_cast %get3A_227 : vector<1x16xf32> to vector<16xf32>
      %add3A_229 = arith.addf %get3A_223, %get3A_228 : vector<16xf32>
      %get3A_230 = arith.constant 2 : i32
      %get3A_231 = arith.index_cast %get3A_230 : i32 to index
      %get3A_232 = arith.constant 64 : index
      %get3A_233 = tpu.vector_load %arg6[%get3A_231, %get3A_232] {strides = array<i32>} : memref<8x128xf32, #tpu.memory_space<vmem>>, vector<1x16xf32>,
      %get3A_234 = vector.shape_cast %get3A_233 : vector<1x16xf32> to vector<16xf32>
      %add3A_235 = arith.addf %add3A_229, %get3A_234 : vector<16xf32>
      %get3A_236 = arith.constant 3 : i32
      %get3A_237 = arith.index_cast %get3A_236 : i32 to index
      %get3A_238 = arith.constant 64 : index
      %get3A_239 = tpu.vector_load %arg6[%get3A_237, %get3A_238] {strides = array<i32>} : memref<8x128xf32, #tpu.memory_space<vmem>>, vector<1x16xf32>,
      %get3A_240 = vector.shape_cast %get3A_239 : vector<1x16xf32> to vector<16xf32>
      %add3A_241 = arith.addf %add3A_235, %get3A_240 : vector<16xf32>
      %get3A_242 = arith.constant 4 : i32
      %get3A_243 = arith.index_cast %get3A_242 : i32 to index
      %get3A_244 = arith.constant 64 : index
      %get3A_245 = tpu.vector_load %arg6[%get3A_243, %get3A_244] {strides = array<i32>} : memref<8x128xf32, #tpu.memory_space<vmem>>, vector<1x16xf32>,
      %get3A_246 = vector.shape_cast %get3A_245 : vector<1x16xf32> to vector<16xf32>
      %add3A_247 = arith.addf %add3A_241, %get3A_246 : vector<16xf32>
      %get3A_248 = arith.constant 5 : i32
      %get3A_249 = arith.index_cast %get3A_248 : i32 to index
      %get3A_250 = arith.constant 64 : index
      %get3A_251 = tpu.vector_load %arg6[%get3A_249, %get3A_250] {strides = array<i32>} : memref<8x128xf32, #tpu.memory_space<vmem>>, vector<1x16xf32>,
      %get3A_252 = vector.shape_cast %get3A_251 : vector<1x16xf32> to vector<16xf32>
      %add3A_253 = arith.addf %add3A_247, %get3A_252 : vector<16xf32>
      %get3A_254 = arith.constant 6 : i32
      %get3A_255 = arith.index_cast %get3A_254 : i32 to index
      %get3A_256 = arith.constant 64 : index
      %get3A_257 = tpu.vector_load %arg6[%get3A_255, %get3A_256] {strides = array<i32>} : memref<8x128xf32, #tpu.memory_space<vmem>>, vector<1x16xf32>,
      %get3A_258 = vector.shape_cast %get3A_257 : vector<1x16xf32> to vector<16xf32>
      %add3A_259 = arith.addf %add3A_253, %get3A_258 : vector<16xf32>
      %get3A_260 = arith.constant 7 : i32
      %get3A_261 = arith.index_cast %get3A_260 : i32 to index
      %get3A_262 = arith.constant 64 : index
      %get3A_263 = tpu.vector_load %arg6[%get3A_261, %get3A_262] {strides = array<i32>} : memref<8x128xf32, #tpu.memory_space<vmem>>, vector<1x16xf32>,
      %get3A_264 = vector.shape_cast %get3A_263 : vector<1x16xf32> to vector<16xf32>
      %add3A_265 = arith.addf %add3A_259, %get3A_264 : vector<16xf32>
      %swap3A_266 = arith.constant 0 : i32
      %swap3A_267 = arith.index_cast %swap3A_266 : i32 to index
      %swap3A_268 = arith.constant 64 : index
      %swap3A_269 = tpu.vector_load %arg7[%swap3A_267, %swap3A_268] {strides = array<i32>} : memref<1x128xf32, #tpu.memory_space<vmem>>, vector<1x16xf32>,
      %swap3A_270 = vector.shape_cast %swap3A_269 : vector<1x16xf32> to vector<16xf32>
      %swap3A_271 = vector.shape_cast %add3A_265 : vector<16xf32> to vector<1x16xf32>
      tpu.vector_store %arg7[%swap3A_267, %swap3A_268], %swap3A_271 {strides = array<i32>} : memref<1x128xf32, #tpu.memory_space<vmem>>, vector<1x16xf32>,
      %get3A_272 = arith.constant 0 : i32
      %get3A_273 = arith.index_cast %get3A_272 : i32 to index
      %get3A_274 = arith.constant 80 : index
      %get3A_275 = tpu.vector_load %arg6[%get3A_273, %get3A_274] {strides = array<i32>} : memref<8x128xf32, #tpu.memory_space<vmem>>, vector<1x16xf32>,
      %get3A_276 = vector.shape_cast %get3A_275 : vector<1x16xf32> to vector<16xf32>
      %get3A_277 = arith.constant 1 : i32
      %get3A_278 = arith.index_cast %get3A_277 : i32 to index
      %get3A_279 = arith.constant 80 : index
      %get3A_280 = tpu.vector_load %arg6[%get3A_278, %get3A_279] {strides = array<i32>} : memref<8x128xf32, #tpu.memory_space<vmem>>, vector<1x16xf32>,
      %get3A_281 = vector.shape_cast %get3A_280 : vector<1x16xf32> to vector<16xf32>
      %add3A_282 = arith.addf %get3A_276, %get3A_281 : vector<16xf32>
      %get3A_283 = arith.constant 2 : i32
      %get3A_284 = arith.index_cast %get3A_283 : i32 to index
      %get3A_285 = arith.constant 80 : index
      %get3A_286 = tpu.vector_load %arg6[%get3A_284, %get3A_285] {strides = array<i32>} : memref<8x128xf32, #tpu.memory_space<vmem>>, vector<1x16xf32>,
      %get3A_287 = vector.shape_cast %get3A_286 : vector<1x16xf32> to vector<16xf32>
      %add3A_288 = arith.addf %add3A_282, %get3A_287 : vector<16xf32>
      %get3A_289 = arith.constant 3 : i32
      %get3A_290 = arith.index_cast %get3A_289 : i32 to index
      %get3A_291 = arith.constant 80 : index
      %get3A_292 = tpu.vector_load %arg6[%get3A_290, %get3A_291] {strides = array<i32>} : memref<8x128xf32, #tpu.memory_space<vmem>>, vector<1x16xf32>,
      %get3A_293 = vector.shape_cast %get3A_292 : vector<1x16xf32> to vector<16xf32>
      %add3A_294 = arith.addf %add3A_288, %get3A_293 : vector<16xf32>
      %get3A_295 = arith.constant 4 : i32
      %get3A_296 = arith.index_cast %get3A_295 : i32 to index
      %get3A_297 = arith.constant 80 : index
      %get3A_298 = tpu.vector_load %arg6[%get3A_296, %get3A_297] {strides = array<i32>} : memref<8x128xf32, #tpu.memory_space<vmem>>, vector<1x16xf32>,
      %get3A_299 = vector.shape_cast %get3A_298 : vector<1x16xf32> to vector<16xf32>
      %add3A_300 = arith.addf %add3A_294, %get3A_299 : vector<16xf32>
      %get3A_301 = arith.constant 5 : i32
      %get3A_302 = arith.index_cast %get3A_301 : i32 to index
      %get3A_303 = arith.constant 80 : index
      %get3A_304 = tpu.vector_load %arg6[%get3A_302, %get3A_303] {strides = array<i32>} : memref<8x128xf32, #tpu.memory_space<vmem>>, vector<1x16xf32>,
      %get3A_305 = vector.shape_cast %get3A_304 : vector<1x16xf32> to vector<16xf32>
      %add3A_306 = arith.addf %add3A_300, %get3A_305 : vector<16xf32>
      %get3A_307 = arith.constant 6 : i32
      %get3A_308 = arith.index_cast %get3A_307 : i32 to index
      %get3A_309 = arith.constant 80 : index
      %get3A_310 = tpu.vector_load %arg6[%get3A_308, %get3A_309] {strides = array<i32>} : memref<8x128xf32, #tpu.memory_space<vmem>>, vector<1x16xf32>,
      %get3A_311 = vector.shape_cast %get3A_310 : vector<1x16xf32> to vector<16xf32>
      %add3A_312 = arith.addf %add3A_306, %get3A_311 : vector<16xf32>
      %get3A_313 = arith.constant 7 : i32
      %get3A_314 = arith.index_cast %get3A_313 : i32 to index
      %get3A_315 = arith.constant 80 : index
      %get3A_316 = tpu.vector_load %arg6[%get3A_314, %get3A_315] {strides = array<i32>} : memref<8x128xf32, #tpu.memory_space<vmem>>, vector<1x16xf32>,
      %get3A_317 = vector.shape_cast %get3A_316 : vector<1x16xf32> to vector<16xf32>
      %add3A_318 = arith.addf %add3A_312, %get3A_317 : vector<16xf32>
      %swap3A_319 = arith.constant 0 : i32
      %swap3A_320 = arith.index_cast %swap3A_319 : i32 to index
      %swap3A_321 = arith.constant 80 : index
      %swap3A_322 = tpu.vector_load %arg7[%swap3A_320, %swap3A_321] {strides = array<i32>} : memref<1x128xf32, #tpu.memory_space<vmem>>, vector<1x16xf32>,
      %swap3A_323 = vector.shape_cast %swap3A_322 : vector<1x16xf32> to vector<16xf32>
      %swap3A_324 = vector.shape_cast %add3A_318 : vector<16xf32> to vector<1x16xf32>
      tpu.vector_store %arg7[%swap3A_320, %swap3A_321], %swap3A_324 {strides = array<i32>} : memref<1x128xf32, #tpu.memory_space<vmem>>, vector<1x16xf32>,
      %get3A_325 = arith.constant 0 : i32
      %get3A_326 = arith.index_cast %get3A_325 : i32 to index
      %get3A_327 = arith.constant 96 : index
      %get3A_328 = tpu.vector_load %arg6[%get3A_326, %get3A_327] {strides = array<i32>} : memref<8x128xf32, #tpu.memory_space<vmem>>, vector<1x16xf32>,
      %get3A_329 = vector.shape_cast %get3A_328 : vector<1x16xf32> to vector<16xf32>
      %get3A_330 = arith.constant 1 : i32
      %get3A_331 = arith.index_cast %get3A_330 : i32 to index
      %get3A_332 = arith.constant 96 : index
      %get3A_333 = tpu.vector_load %arg6[%get3A_331, %get3A_332] {strides = array<i32>} : memref<8x128xf32, #tpu.memory_space<vmem>>, vector<1x16xf32>,
      %get3A_334 = vector.shape_cast %get3A_333 : vector<1x16xf32> to vector<16xf32>
      %add3A_335 = arith.addf %get3A_329, %get3A_334 : vector<16xf32>
      %get3A_336 = arith.constant 2 : i32
      %get3A_337 = arith.index_cast %get3A_336 : i32 to index
      %get3A_338 = arith.constant 96 : index
      %get3A_339 = tpu.vector_load %arg6[%get3A_337, %get3A_338] {strides = array<i32>} : memref<8x128xf32, #tpu.memory_space<vmem>>, vector<1x16xf32>,
      %get3A_340 = vector.shape_cast %get3A_339 : vector<1x16xf32> to vector<16xf32>
      %add3A_341 = arith.addf %add3A_335, %get3A_340 : vector<16xf32>
      %get3A_342 = arith.constant 3 : i32
      %get3A_343 = arith.index_cast %get3A_342 : i32 to index
      %get3A_344 = arith.constant 96 : index
      %get3A_345 = tpu.vector_load %arg6[%get3A_343, %get3A_344] {strides = array<i32>} : memref<8x128xf32, #tpu.memory_space<vmem>>, vector<1x16xf32>,
      %get3A_346 = vector.shape_cast %get3A_345 : vector<1x16xf32> to vector<16xf32>
      %add3A_347 = arith.addf %add3A_341, %get3A_346 : vector<16xf32>
      %get3A_348 = arith.constant 4 : i32
      %get3A_349 = arith.index_cast %get3A_348 : i32 to index
      %get3A_350 = arith.constant 96 : index
      %get3A_351 = tpu.vector_load %arg6[%get3A_349, %get3A_350] {strides = array<i32>} : memref<8x128xf32, #tpu.memory_space<vmem>>, vector<1x16xf32>,
      %get3A_352 = vector.shape_cast %get3A_351 : vector<1x16xf32> to vector<16xf32>
      %add3A_353 = arith.addf %add3A_347, %get3A_352 : vector<16xf32>
      %get3A_354 = arith.constant 5 : i32
      %get3A_355 = arith.index_cast %get3A_354 : i32 to index
      %get3A_356 = arith.constant 96 : index
      %get3A_357 = tpu.vector_load %arg6[%get3A_355, %get3A_356] {strides = array<i32>} : memref<8x128xf32, #tpu.memory_space<vmem>>, vector<1x16xf32>,
      %get3A_358 = vector.shape_cast %get3A_357 : vector<1x16xf32> to vector<16xf32>
      %add3A_359 = arith.addf %add3A_353, %get3A_358 : vector<16xf32>
      %get3A_360 = arith.constant 6 : i32
      %get3A_361 = arith.index_cast %get3A_360 : i32 to index
      %get3A_362 = arith.constant 96 : index
      %get3A_363 = tpu.vector_load %arg6[%get3A_361, %get3A_362] {strides = array<i32>} : memref<8x128xf32, #tpu.memory_space<vmem>>, vector<1x16xf32>,
      %get3A_364 = vector.shape_cast %get3A_363 : vector<1x16xf32> to vector<16xf32>
      %add3A_365 = arith.addf %add3A_359, %get3A_364 : vector<16xf32>
      %get3A_366 = arith.constant 7 : i32
      %get3A_367 = arith.index_cast %get3A_366 : i32 to index
      %get3A_368 = arith.constant 96 : index
      %get3A_369 = tpu.vector_load %arg6[%get3A_367, %get3A_368] {strides = array<i32>} : memref<8x128xf32, #tpu.memory_space<vmem>>, vector<1x16xf32>,
      %get3A_370 = vector.shape_cast %get3A_369 : vector<1x16xf32> to vector<16xf32>
      %add3A_371 = arith.addf %add3A_365, %get3A_370 : vector<16xf32>
      %swap3A_372 = arith.constant 0 : i32
      %swap3A_373 = arith.index_cast %swap3A_372 : i32 to index
      %swap3A_374 = arith.constant 96 : index
      %swap3A_375 = tpu.vector_load %arg7[%swap3A_373, %swap3A_374] {strides = array<i32>} : memref<1x128xf32, #tpu.memory_space<vmem>>, vector<1x16xf32>,
      %swap3A_376 = vector.shape_cast %swap3A_375 : vector<1x16xf32> to vector<16xf32>
      %swap3A_377 = vector.shape_cast %add3A_371 : vector<16xf32> to vector<1x16xf32>
      tpu.vector_store %arg7[%swap3A_373, %swap3A_374], %swap3A_377 {strides = array<i32>} : memref<1x128xf32, #tpu.memory_space<vmem>>, vector<1x16xf32>,
      %get3A_378 = arith.constant 0 : i32
      %get3A_379 = arith.index_cast %get3A_378 : i32 to index
      %get3A_380 = arith.constant 112 : index
      %get3A_381 = tpu.vector_load %arg6[%get3A_379, %get3A_380] {strides = array<i32>} : memref<8x128xf32, #tpu.memory_space<vmem>>, vector<1x16xf32>,
      %get3A_382 = vector.shape_cast %get3A_381 : vector<1x16xf32> to vector<16xf32>
      %get3A_383 = arith.constant 1 : i32
      %get3A_384 = arith.index_cast %get3A_383 : i32 to index
      %get3A_385 = arith.constant 112 : index
      %get3A_386 = tpu.vector_load %arg6[%get3A_384, %get3A_385] {strides = array<i32>} : memref<8x128xf32, #tpu.memory_space<vmem>>, vector<1x16xf32>,
      %get3A_387 = vector.shape_cast %get3A_386 : vector<1x16xf32> to vector<16xf32>
      %add3A_388 = arith.addf %get3A_382, %get3A_387 : vector<16xf32>
      %get3A_389 = arith.constant 2 : i32
      %get3A_390 = arith.index_cast %get3A_389 : i32 to index
      %get3A_391 = arith.constant 112 : index
      %get3A_392 = tpu.vector_load %arg6[%get3A_390, %get3A_391] {strides = array<i32>} : memref<8x128xf32, #tpu.memory_space<vmem>>, vector<1x16xf32>,
      %get3A_393 = vector.shape_cast %get3A_392 : vector<1x16xf32> to vector<16xf32>
      %add3A_394 = arith.addf %add3A_388, %get3A_393 : vector<16xf32>
      %get3A_395 = arith.constant 3 : i32
      %get3A_396 = arith.index_cast %get3A_395 : i32 to index
      %get3A_397 = arith.constant 112 : index
      %get3A_398 = tpu.vector_load %arg6[%get3A_396, %get3A_397] {strides = array<i32>} : memref<8x128xf32, #tpu.memory_space<vmem>>, vector<1x16xf32>,
      %get3A_399 = vector.shape_cast %get3A_398 : vector<1x16xf32> to vector<16xf32>
      %add3A_400 = arith.addf %add3A_394, %get3A_399 : vector<16xf32>
      %get3A_401 = arith.constant 4 : i32
      %get3A_402 = arith.index_cast %get3A_401 : i32 to index
      %get3A_403 = arith.constant 112 : index
      %get3A_404 = tpu.vector_load %arg6[%get3A_402, %get3A_403] {strides = array<i32>} : memref<8x128xf32, #tpu.memory_space<vmem>>, vector<1x16xf32>,
      %get3A_405 = vector.shape_cast %get3A_404 : vector<1x16xf32> to vector<16xf32>
      %add3A_406 = arith.addf %add3A_400, %get3A_405 : vector<16xf32>
      %get3A_407 = arith.constant 5 : i32
      %get3A_408 = arith.index_cast %get3A_407 : i32 to index
      %get3A_409 = arith.constant 112 : index
      %get3A_410 = tpu.vector_load %arg6[%get3A_408, %get3A_409] {strides = array<i32>} : memref<8x128xf32, #tpu.memory_space<vmem>>, vector<1x16xf32>,
      %get3A_411 = vector.shape_cast %get3A_410 : vector<1x16xf32> to vector<16xf32>
      %add3A_412 = arith.addf %add3A_406, %get3A_411 : vector<16xf32>
      %get3A_413 = arith.constant 6 : i32
      %get3A_414 = arith.index_cast %get3A_413 : i32 to index
      %get3A_415 = arith.constant 112 : index
      %get3A_416 = tpu.vector_load %arg6[%get3A_414, %get3A_415] {strides = array<i32>} : memref<8x128xf32, #tpu.memory_space<vmem>>, vector<1x16xf32>,
      %get3A_417 = vector.shape_cast %get3A_416 : vector<1x16xf32> to vector<16xf32>
      %add3A_418 = arith.addf %add3A_412, %get3A_417 : vector<16xf32>
      %get3A_419 = arith.constant 7 : i32
      %get3A_420 = arith.index_cast %get3A_419 : i32 to index
      %get3A_421 = arith.constant 112 : index
      %get3A_422 = tpu.vector_load %arg6[%get3A_420, %get3A_421] {strides = array<i32>} : memref<8x128xf32, #tpu.memory_space<vmem>>, vector<1x16xf32>,
      %get3A_423 = vector.shape_cast %get3A_422 : vector<1x16xf32> to vector<16xf32>
      %add3A_424 = arith.addf %add3A_418, %get3A_423 : vector<16xf32>
      %swap3A_425 = arith.constant 0 : i32
      %swap3A_426 = arith.index_cast %swap3A_425 : i32 to index
      %swap3A_427 = arith.constant 112 : index
      %swap3A_428 = tpu.vector_load %arg7[%swap3A_426, %swap3A_427] {strides = array<i32>} : memref<1x128xf32, #tpu.memory_space<vmem>>, vector<1x16xf32>,
      %swap3A_429 = vector.shape_cast %swap3A_428 : vector<1x16xf32> to vector<16xf32>
      %swap3A_430 = vector.shape_cast %add3A_424 : vector<16xf32> to vector<1x16xf32>
      tpu.vector_store %arg7[%swap3A_426, %swap3A_427], %swap3A_430 {strides = array<i32>} : memref<1x128xf32, #tpu.memory_space<vmem>>, vector<1x16xf32>,
      "tpu.region"() ({
        %run_scoped3A = tpu.sem_alloc : memref<!tpu.dma_semaphore, #tpu.memory_space<semaphore_mem>>
        %dma_start3A_431 = arith.constant 0 : i32
        %dma_start3A_432 = tpu.memref_slice %arg4[%add3A, %dma_start3A_431] : memref<25x128xf32, #tpu.memory_space<hbm>> -> memref<1x128xf32, #tpu.memory_space<hbm>>
        %dma_start3A_433 = arith.constant 0 : i32
        %dma_start3A_434 = tpu.memref_slice %arg4[%add3A, %dma_start3A_433] : memref<25x128xf32, #tpu.memory_space<hbm>> -> memref<1x128xf32, #tpu.memory_space<hbm>>
        tpu.enqueue_dma source(%arg7 : memref<1x128xf32, #tpu.memory_space<vmem>>) target(%dma_start3A_434 : memref<1x128xf32, #tpu.memory_space<hbm>>) target_semaphore(%run_scoped3A : memref<!tpu.dma_semaphore, #tpu.memory_space<semaphore_mem>>)
        %dma_wait3A_435 = arith.constant 0 : i32
        %dma_wait3A_436 = tpu.memref_slice %arg4[%add3A, %dma_wait3A_435] : memref<25x128xf32, #tpu.memory_space<hbm>> -> memref<1x128xf32, #tpu.memory_space<hbm>>
        %dma_wait3A_437 = arith.constant 0 : i32
        %dma_wait3A_438 = tpu.memref_slice %arg4[%add3A, %dma_wait3A_437] : memref<25x128xf32, #tpu.memory_space<hbm>> -> memref<1x128xf32, #tpu.memory_space<hbm>>
        tpu.wait_dma2 semaphore(%run_scoped3A : memref<!tpu.dma_semaphore, #tpu.memory_space<semaphore_mem>>) src(%arg7 : memref<1x128xf32, #tpu.memory_space<vmem>>) dst(%dma_wait3A_438 : memref<1x128xf32, #tpu.memory_space<hbm>>)
        tpu.yield
      }) : () -> ()
    } else {
    }
    return
  }
}

module attributes {stable_mosaic.version = 14 : i64} {
  func.func @_tc_matvec_lse(%arg0: i32, %arg1: memref<25x128xf32, #tpu.memory_space<vmem>>, %arg2: memref<20000x128xf32, #tpu.memory_space<vmem>>, %arg3: memref<5x20000xf32, #tpu.memory_space<vmem>>, %arg4: memref<5x20000xf32, #tpu.memory_space<vmem>>, %arg5: memref<1x20000xf32, #tpu.memory_space<vmem>>, %arg6: memref<1x20000xf32, #tpu.memory_space<vmem>>) attributes {dimension_semantics = [#tpu.dimension_semantics<arbitrary>], iteration_bounds = array<i64: 5>, scalar_prefetch = 0 : i64, scratch_operands = 2 : i64, tpu.core_type = #tpu.core_type<tc>, window_params = [{pipeline_mode = #tpu.pipeline_mode<synchronous>, transform_indices = @transform_0, window_bounds = array<i64: 25, 128>}, {transform_indices = @transform_1, window_bounds = array<i64: 20000, 128>}, {pipeline_mode = #tpu.pipeline_mode<synchronous>, transform_indices = @transform_2, window_bounds = array<i64: 5, 20000>}, {pipeline_mode = #tpu.pipeline_mode<synchronous>, transform_indices = @transform_3, window_bounds = array<i64: 5, 20000>}]} {
    %get3A = arith.constant 0 : index
    %get3A_0 = arith.constant 0 : index
    %get3A_1 = vector.load %arg1[%get3A, %get3A_0] : memref<25x128xf32, #tpu.memory_space<vmem>>, vector<25x128xf32>
    %reduce_sum3A = arith.constant dense<0.000000e+00> : vector<128xf32>
    %reduce_sum3A_2 = vector.multi_reduction <add>, %get3A_1, %reduce_sum3A [0] : vector<25x128xf32> to vector<128xf32>
    %broadcast_in_dim3A = vector.shape_cast %reduce_sum3A_2 : vector<128xf32> to vector<1x128xf32>
    %get3A_3 = arith.constant 0 : index
    %get3A_4 = arith.constant 0 : index
    %get3A_5 = vector.load %arg2[%get3A_3, %get3A_4] : memref<20000x128xf32, #tpu.memory_space<vmem>>, vector<20000x128xf32>
    %dot_general3A = arith.constant dense<0.000000e+00> : vector<1x20000xf32>
    %dot_general3A_6 = tpu.matmul %broadcast_in_dim3A, %get3A_5, %dot_general3A {dimension_numbers = #tpu.dot_dimension_numbers<[1], [1], [0], [0], [0, 0, 1, 0], [], []>, transpose_lhs_hint = false} : vector<1x128xf32>, vector<20000x128xf32>, vector<1x20000xf32> -> vector<1x20000xf32>
    %get3A_7 = arith.index_cast %arg0 : i32 to index
    %get3A_8 = arith.constant 0 : index
    %get3A_9 = vector.load %arg3[%get3A_7, %get3A_8] : memref<5x20000xf32, #tpu.memory_space<vmem>>, vector<1x20000xf32>
    %add3A = arith.addf %dot_general3A_6, %get3A_9 : vector<1x20000xf32>
    %swap3A = arith.index_cast %arg0 : i32 to index
    %swap3A_10 = arith.constant 0 : index
    %swap3A_11 = vector.load %arg4[%swap3A, %swap3A_10] : memref<5x20000xf32, #tpu.memory_space<vmem>>, vector<1x20000xf32>
    tpu.vector_store %arg4[%swap3A, %swap3A_10], %add3A {strides = array<i32>} : memref<5x20000xf32, #tpu.memory_space<vmem>>, vector<1x20000xf32>,
    %eq3A = arith.constant 0 : i32
    %eq3A_12 = arith.cmpi eq, %arg0, %eq3A : i32
    %convert_element_type3A = arith.extui %eq3A_12 : i1 to i32
    %cond3A = arith.constant 0 : i32
    %cond3A_13 = arith.cmpi ne, %convert_element_type3A, %cond3A : i32
    scf.if %cond3A_13 {
      %broadcast_in_dim3A_34 = arith.constant 0xFF800000 : f32
      %broadcast_in_dim3A_35 = vector.broadcast %broadcast_in_dim3A_34 : f32 to vector<1x20000xf32>
      %swap3A_36 = arith.constant 0 : index
      %swap3A_37 = arith.constant 0 : index
      %swap3A_38 = vector.load %arg5[%swap3A_36, %swap3A_37] : memref<1x20000xf32, #tpu.memory_space<vmem>>, vector<1x20000xf32>
      tpu.vector_store %arg5[%swap3A_36, %swap3A_37], %broadcast_in_dim3A_35 {strides = array<i32>} : memref<1x20000xf32, #tpu.memory_space<vmem>>, vector<1x20000xf32>,
      %broadcast_in_dim3A_39 = arith.constant 0.000000e+00 : f32
      %broadcast_in_dim3A_40 = vector.broadcast %broadcast_in_dim3A_39 : f32 to vector<1x20000xf32>
      %swap3A_41 = arith.constant 0 : index
      %swap3A_42 = arith.constant 0 : index
      %swap3A_43 = vector.load %arg6[%swap3A_41, %swap3A_42] : memref<1x20000xf32, #tpu.memory_space<vmem>>, vector<1x20000xf32>
      tpu.vector_store %arg6[%swap3A_41, %swap3A_42], %broadcast_in_dim3A_40 {strides = array<i32>} : memref<1x20000xf32, #tpu.memory_space<vmem>>, vector<1x20000xf32>,
    } else {
    }
    %get3A_14 = arith.constant 0 : index
    %get3A_15 = arith.constant 0 : index
    %get3A_16 = vector.load %arg5[%get3A_14, %get3A_15] : memref<1x20000xf32, #tpu.memory_space<vmem>>, vector<1x20000xf32>
    %max3A = arith.maximumf %get3A_16, %add3A : vector<1x20000xf32>
    %get3A_17 = arith.constant 0 : index
    %get3A_18 = arith.constant 0 : index
    %get3A_19 = vector.load %arg6[%get3A_17, %get3A_18] : memref<1x20000xf32, #tpu.memory_space<vmem>>, vector<1x20000xf32>
    %sub3A = arith.subf %get3A_16, %max3A : vector<1x20000xf32>
    %exp3A = math.exp %sub3A : vector<1x20000xf32>
    %mul3A = arith.mulf %get3A_19, %exp3A : vector<1x20000xf32>
    %sub3A_20 = arith.subf %add3A, %max3A : vector<1x20000xf32>
    %exp3A_21 = math.exp %sub3A_20 : vector<1x20000xf32>
    %add3A_22 = arith.addf %mul3A, %exp3A_21 : vector<1x20000xf32>
    %swap3A_23 = arith.constant 0 : index
    %swap3A_24 = arith.constant 0 : index
    %swap3A_25 = vector.load %arg6[%swap3A_23, %swap3A_24] : memref<1x20000xf32, #tpu.memory_space<vmem>>, vector<1x20000xf32>
    tpu.vector_store %arg6[%swap3A_23, %swap3A_24], %add3A_22 {strides = array<i32>} : memref<1x20000xf32, #tpu.memory_space<vmem>>, vector<1x20000xf32>,
    %swap3A_26 = arith.constant 0 : index
    %swap3A_27 = arith.constant 0 : index
    %swap3A_28 = vector.load %arg5[%swap3A_26, %swap3A_27] : memref<1x20000xf32, #tpu.memory_space<vmem>>, vector<1x20000xf32>
    tpu.vector_store %arg5[%swap3A_26, %swap3A_27], %max3A {strides = array<i32>} : memref<1x20000xf32, #tpu.memory_space<vmem>>, vector<1x20000xf32>,
    %eq3A_29 = arith.constant 4 : i32
    %eq3A_30 = arith.cmpi eq, %arg0, %eq3A_29 : i32
    %convert_element_type3A_31 = arith.extui %eq3A_30 : i1 to i32
    %cond3A_32 = arith.constant 0 : i32
    %cond3A_33 = arith.cmpi ne, %convert_element_type3A_31, %cond3A_32 : i32
    scf.if %cond3A_33 {
      %get3A_34 = arith.constant 0 : index
      %get3A_35 = arith.constant 0 : index
      %get3A_36 = vector.load %arg5[%get3A_34, %get3A_35] : memref<1x20000xf32, #tpu.memory_space<vmem>>, vector<1x20000xf32>
      %reduce_max3A = vector.shape_cast %get3A_36 : vector<1x20000xf32> to vector<1x1x20000xf32>
      %reduce_max3A_37 = arith.constant dense<0xFF800000> : vector<1xf32>
      %reduce_max3A_38 = vector.multi_reduction <maximumf>, %reduce_max3A, %reduce_max3A_37 [1, 2] : vector<1x1x20000xf32> to vector<1xf32>
      %reduce_max3A_39 = vector.shape_cast %reduce_max3A_38 : vector<1xf32> to vector<1x1x1xf32>
      %reduce_max3A_40 = vector.extract %reduce_max3A_39[0, 0, 0] : f32 from vector<1x1x1xf32>
      %get3A_41 = arith.constant 0 : index
      %get3A_42 = arith.constant 0 : index
      %get3A_43 = vector.load %arg6[%get3A_41, %get3A_42] : memref<1x20000xf32, #tpu.memory_space<vmem>>, vector<1x20000xf32>
      %sub3A_44 = vector.broadcast %reduce_max3A_40 : f32 to vector<1x20000xf32>
      %sub3A_45 = arith.subf %get3A_36, %sub3A_44 : vector<1x20000xf32>
      %exp3A_46 = math.exp %sub3A_45 : vector<1x20000xf32>
      %mul3A_47 = arith.mulf %get3A_43, %exp3A_46 : vector<1x20000xf32>
      %reduce_sum3A_48 = vector.shape_cast %mul3A_47 : vector<1x20000xf32> to vector<1x1x20000xf32>
      %reduce_sum3A_49 = arith.constant dense<0.000000e+00> : vector<1xf32>
      %reduce_sum3A_50 = vector.multi_reduction <add>, %reduce_sum3A_48, %reduce_sum3A_49 [1, 2] : vector<1x1x20000xf32> to vector<1xf32>
      %reduce_sum3A_51 = vector.shape_cast %reduce_sum3A_50 : vector<1xf32> to vector<1x1x1xf32>
      %reduce_sum3A_52 = vector.extract %reduce_sum3A_51[0, 0, 0] : f32 from vector<1x1x1xf32>
      %get3A_53 = arith.constant 0 : index
      %get3A_54 = arith.constant 0 : index
      %get3A_55 = vector.load %arg4[%get3A_53, %get3A_54] : memref<5x20000xf32, #tpu.memory_space<vmem>>, vector<5x20000xf32>
      %log3A = math.log %reduce_sum3A_52 : f32
      %add3A_56 = arith.addf %reduce_max3A_40, %log3A : f32
      %sub3A_57 = vector.broadcast %add3A_56 : f32 to vector<5x20000xf32>
      %sub3A_58 = arith.subf %get3A_55, %sub3A_57 : vector<5x20000xf32>
      %swap3A_59 = arith.constant 0 : index
      %swap3A_60 = arith.constant 0 : index
      %swap3A_61 = vector.load %arg4[%swap3A_59, %swap3A_60] : memref<5x20000xf32, #tpu.memory_space<vmem>>, vector<5x20000xf32>
      tpu.vector_store %arg4[%swap3A_59, %swap3A_60], %sub3A_58 {strides = array<i32>} : memref<5x20000xf32, #tpu.memory_space<vmem>>, vector<5x20000xf32>,
    } else {
    }
    return
  }
  func.func @transform_0(%arg0: i32) -> (i32, i32) {
    %c0_i32 = arith.constant 0 : i32
    %c0_i32_0 = arith.constant 0 : i32
    %c0_i32_1 = arith.constant 0 : i32
    return %c0_i32, %c0_i32_0 : i32, i32
  }
  func.func @transform_1(%arg0: i32) -> (i32, i32) {
    %c0_i32 = arith.constant 0 : i32
    %c0_i32_0 = arith.constant 0 : i32
    return %arg0, %c0_i32 : i32, i32
  }
  func.func @transform_2(%arg0: i32) -> (i32, i32) {
    %c0_i32 = arith.constant 0 : i32
    %c0_i32_0 = arith.constant 0 : i32
    %c0_i32_1 = arith.constant 0 : i32
    return %c0_i32, %c0_i32_0 : i32, i32
  }
  func.func @transform_3(%arg0: i32) -> (i32, i32) {
    %c0_i32 = arith.constant 0 : i32
    %c0_i32_0 = arith.constant 0 : i32
    %c0_i32_1 = arith.constant 0 : i32
    return %c0_i32, %c0_i32_0 : i32, i32
  }
}

</mosaic_0001>

<sc_bundles>
// kernel: kernel.4.cloned.1.call-start
scs
__scs_entry_jumppad:
0x0: {  	(pc) =	sbr.rel $0x88, $3  }
0x1: {  	(tag) =	ssettag $0x0;
	lr =	simm.s32 $0x1  }
0x2: {  	[smem:$0x3F9D] =	sst lr;
	_ =	strace $0xD0000000  }
0x3: {  	_ = 	snop  }
0x4: {  	_ = 	snop  }
0x5: {  	_ = 	snop  }
0x6: {  	_ = 	snop  }
0x7: {  	_ = 	snop  }
__scs_overlays_trampoline_lowered:
0x8: {  	[smem:$0x3FAC] =	sst s0  }
0x9: {  	[smem:$0x3FAD] =	sst s1  }
0xa: {  	[smem:$0x3FAE] =	sst s2  }
0xb: {  	[smem:$0x3FAF] =	sst s3  }
0xc: {  	[smem:$0x3FB0] =	sst s4  }
0xd: {  	[smem:$0x3FB1] =	sst s5  }
0xe: {  	[smem:$0x3FB2] =	sst s6  }
0xf: {  	[smem:$0x3FB3] =	sst s7  }
0x10: {  	[smem:$0x3FB4] =	sst s8  }
0x11: {  	[smem:$0x3FB5] =	sst s9;
	s0 =	simm.s32 @!p0 $0x0  }
0x12: {  	s1 =	sld [smem:$0x3F9B];
	s0 =	simm.s32 @p0 $0x1  }
0x13: {  	[smem:$0x3FB6] =	sst s0;
	s0 =	simm.s32 @!p1 $0x0  }
0x14: {  	s2 =	sld [smem:$0x3F9A];
	s0 =	simm.s32 @p1 $0x1  }
0x15: {  	[smem:$0x3FB7] =	sst s0;
	s0 =	simm.s32 @!p2 $0x0  }
0x16: {  	s3 =	sld [smem:$0x3FDB];
	s0 =	simm.s32 @p2 $0x1  }
0x17: {  	s4 =	simm.s32 $0x1BF5;
	[smem:$0x3FB9] =	sst s0  }
0x18: {  	s0 =	sld [smem:$0x3F9C];
	_ =	swait.ge [sflag:s4], $0x0  }
0x19: {  	s7 =	sld [smem:$0x3F9D]  }
0x1a: {  	s8 =	sadd.s32 $0xFFFFE003, lr  }
0x1b: {  	s9 =	sadd.s32 $0xFFFFFEF7, lr;
	s5 =	simm.s32 $0xFFFFFFFF;
	p2 =	slt.u32 s8, $0xFFFFF086  }
0x1c: {  	p1 =	slt.u32 s9, $0xF7A;
	s5 =	simm.s32 @!p2 $0x0  }
0x1d: {  	s5 =	simm.s32 @p1 $0x1;
	p0 =	seq.s32 s7, s2  }
0x1e: {  	s7 =	smul.u32 @!p0 $0xF7A, s2;
	p2 =	seq.s32 @!p0 s5, $0x0  }
0x1f: {  	s9 =	smul.u32 $0xF7A, s1;
	s8 =	simm.s32 @!p0 $0x1BF5;
	p2 =	por !p2, p0  }
0x20: {  	[sflag:s8] =	ssyncset.s32 @!p0 $0xFFFFF086;
	s6 =	sadd.s32 @!p0 s3, s7;
	s7 =	simm.s32 @!p0 $0x108  }
0x21: {  	s3 =	sadd.s32 s3, s9;
	s6 =	sadd.s32 @!p0 $0x88, s6;
	s7 =	simm.s32 @p2 $0x1082  }
0x22: {  	[simem:s7], [sflag:s8] =	dma.local @!p0 [hbm:s6], $0xF7A  }
0x23: {  	s9 =	sor.u32 $0xD0000000, s2;
	s6 =	simm.s32 $0x108;
	_ =	swait.ge @!p0 [sflag:s8], $0x0  }
0x24: {  	s3 =	sadd.s32 $0x88, s3;
	s6 =	simm.s32 @!p1 $0x1082;
	[sflag:s4] =	ssyncset.s32 $0xFFFFF086  }
0x25: {  	[simem:s6], [sflag:s4] =	dma.local [hbm:s3], $0xF7A  }
0x26: {  	[smem:$0x3F9D] =	sst s1;
	(tag) =	ssettag s2;
	_ =	strace s9  }
0x27: {  	s1 =	sld [smem:$0x3FAD]  }
0x28: {  	s2 =	sld [smem:$0x3FAE]  }
0x29: {  	s4 =	sld [smem:$0x3FB0]  }
0x2a: {  	p0 =	seq.s32 s5, $0x0;
	s5 =	sld [smem:$0x3FB1]  }
0x2b: {  	s6 =	sld [smem:$0x3FB2]  }
0x2c: {  	s7 =	sld [smem:$0x3FB3]  }
0x2d: {  	s3 =	simm.s32 $0x108;
	s8 =	sld [smem:$0x3FB4]  }
0x2e: {  	s3 =	simm.s32 @!p0 $0x1082;
	s9 =	sld [smem:$0x3FB5]  }
0x2f: {  	lr =	sadd.s32 s0, s3;
	s0 =	sld [smem:$0x3FAC]  }
0x30: {  	s3 =	sld [smem:$0x3FAF]  }
0x31: {  	[smem:$0x3FB8] =	sst s10  }
0x32: {  	s10 =	sld [smem:$0x3FB6];
	_ =	sdelay $0x3  }
0x33: {  	p0 =	seq.s32 s10, $0x1;
	s10 =	sld [smem:$0x3FB8];
	_ =	sdelay $0x3  }
0x34: {  	[smem:$0x3FB8] =	sst s10  }
0x35: {  	s10 =	sld [smem:$0x3FB7];
	_ =	sdelay $0x3  }
0x36: {  	p1 =	seq.s32 s10, $0x1;
	s10 =	sld [smem:$0x3FB8];
	_ =	sdelay $0x3  }
0x37: {  	[smem:$0x3FB8] =	sst s10  }
0x38: {  	s10 =	sld [smem:$0x3FB9]  }
0x39: {  	_ = 	snop;
	(pc) =	sbr.ind lr, $3  }
0x3a: {  	_ = 	snop  }
0x3b: {  	_ = 	snop  }
0x3c: {  	p2 =	seq.s32 s10, $0x1;
	s10 =	sld [smem:$0x3FB8]  }
0x3d: {  	_ =	shalt  }
0x3e: {  	_ =	shalt  }
0x3f: {  	_ =	shalt  }
0x40: {  	_ =	shalt  }
0x41: {  	_ =	shalt  }
0x42: {  	_ =	shalt  }
0x43: {  	_ =	shalt  }
0x44: {  	_ =	shalt  }
0x45: {  	_ =	shalt  }
0x46: {  	_ =	shalt  }
0x47: {  	_ =	shalt  }
0x48: {  	_ =	shalt  }
0x49: {  	_ =	shalt  }
0x4a: {  	_ =	shalt  }
0x4b: {  	_ =	shalt  }
0x4c: {  	_ =	shalt  }
0x4d: {  	_ =	shalt  }
0x4e: {  	_ =	shalt  }
0x4f: {  	_ =	shalt  }
0x50: {  	_ =	shalt  }
0x51: {  	_ =	shalt  }
0x52: {  	_ =	shalt  }
0x53: {  	_ =	shalt  }
0x54: {  	_ =	shalt  }
0x55: {  	_ =	shalt  }
0x56: {  	_ =	shalt  }
0x57: {  	_ =	shalt  }
0x58: {  	_ =	shalt  }
0x59: {  	_ =	shalt  }
0x5a: {  	_ =	shalt  }
0x5b: {  	_ =	shalt  }
0x5c: {  	_ =	shalt  }
0x5d: {  	_ =	shalt  }
0x5e: {  	_ =	shalt  }
0x5f: {  	_ =	shalt  }
0x60: {  	_ =	shalt  }
0x61: {  	_ =	shalt  }
0x62: {  	_ =	shalt  }
0x63: {  	_ =	shalt  }
0x64: {  	_ =	shalt  }
0x65: {  	_ =	shalt  }
0x66: {  	_ =	shalt  }
0x67: {  	_ =	shalt  }
0x68: {  	_ =	shalt  }
0x69: {  	_ =	shalt  }
0x6a: {  	_ =	shalt  }
0x6b: {  	_ =	shalt  }
0x6c: {  	_ =	shalt  }
0x6d: {  	_ =	shalt  }
0x6e: {  	_ =	shalt  }
0x6f: {  	_ =	shalt  }
0x70: {  	_ =	shalt  }
0x71: {  	_ =	shalt  }
0x72: {  	_ =	shalt  }
0x73: {  	_ =	shalt  }
0x74: {  	_ =	shalt  }
0x75: {  	_ =	shalt  }
0x76: {  	_ =	shalt  }
0x77: {  	_ =	shalt  }
0x78: {  	_ =	shalt  }
0x79: {  	_ =	shalt  }
0x7a: {  	_ =	shalt  }
0x7b: {  	_ =	shalt  }
0x7c: {  	_ =	shalt  }
0x7d: {  	_ =	shalt  }
0x7e: {  	_ =	shalt  }
0x7f: {  	_ =	shalt  }
0x80: {  	_ =	shalt  }
0x81: {  	_ =	shalt  }
0x82: {  	_ =	shalt  }
0x83: {  	_ =	shalt  }
0x84: {  	_ =	shalt  }
0x85: {  	_ =	shalt  }
0x86: {  	_ =	shalt  }
0x87: {  	_ =	shalt  }
.Lfunc_end0:
.L_simem_size_0:
called_computation_lowered:
.L_overlay_start_0:
0x88: {  	s2 =	sld [smem:$0x3FD9]  }
0x89: {  	s3 =	sld [smem:$0x3FFE];
	_ =	sdelay $0x1  }
0x8a: {  	s1 =	srdreg.scid  }
0x8b: {  	s0 =	sand.u32 $0x1, s1  }
0x8c: {  	s18 =	sshll.u32 s0, $0xA;
	s2 =	sadd.s32 s3, s2  }
0x8d: {  	s2 =	sadd.s32 s2, s18  }
0x8e: {  	[smem:$0x3FC4] =	sst s2  }
0x8f: {  	_ = 	snop  }
0x90: {  	s2 =	sld [smem:$0x3FC9]  }
0x91: {  	s19 =	sld [smem:$0x3FC8]  }
0x92: {  	s4 =	sld [smem:$0x3FD0];
	(tm) =	ssettm $0x1  }
0x93: {  	s5 =	sld [smem:$0x3FFB];
	_ =	sdelay $0x3  }
0x94: {  	_ =	strace s5  }
0x95: {  	s5 =	sld [smem:$0x3FFC];
	_ =	sdelay $0x3  }
0x96: {  	_ =	strace s5  }
0x97: {  	s5 =	sld [smem:$0x3FFD];
	_ =	sdelay $0x3  }
0x98: {  	_ =	strace s5  }
0x99: {  	_ =	strace $0x8FFFFFFF  }
0x9a: {  	s20 =	sld [smem:$0x3FDB];
	_ =	sdelay $0x1  }
0x9b: {  	s6 =	simm.s32 $_scs_section_size  }
0x9c: {  	s7 =	simm.s32 $_size__tile_overlayer_lowered;
	s8 =	simm.s32 $_tile_overlayer_lowered  }
0x9d: {  	s23 =	simm.s32 $0x1BFF;
	s22 =	sshll.u32 s8, $0x1;
	s5 =	sadd.s32 s6, s20  }
0x9e: {  	s9 =	simm.s32 $0x0;
	s21 =	sshll.u32 s7, $0x1;
	s7 =	sadd.s32 s22, s5  }
0x9f: {  	[timem:s9], [sflag:s23] =	dma.local [hbm:s7], s21  }
0xa0: {  	_ =	swait.ge [sflag:s23], s21  }
0xa1: {  	s6 =	ssub.s32 $0x0, s21;
	[sflag:s23] =	ssyncset.done $0x0  }
0xa2: {  	[sflag:s23] =	ssyncadd.s32 s6;
	_ =	sdelay $0x1  }
0xa3: {  	s24 =	simm.s32 $0x1B8B  }
0xa4: {  	_ =	swait.ge [sflag:s24], $0x1  }
0xa5: {  	[sflag:s24] =	ssyncset.done $0x0  }
0xa6: {  	s25 =	simm.s32 $0x1B8E;
	[sflag:s24] =	ssyncadd.s32 $0xFFFFFFFF  }
0xa7: {  	s26 =	simm.s32 $execute0_lowered;
	[smem:$0x3FD2] =	sst s25  }
0xa8: {  	s6 =	sshll.u32 s26, $0x1;
	_ =	strace $0x80000046;
	[dreg:$0x1] =	wrdreg $0xFFFFFFFF  }
0xa9: {  	s28 =	simm.s32 $_size_execute0_lowered;
	s5 =	sadd.s32 s5, s6;
	[dreg:$0x0] =	wrdreg $0x0  }
0xaa: {  	s6 =	sshll.u32 s28, $0x1;
	[dreg:$0x2] =	wrdreg s5  }
0xab: {  	[dreg:$0x3] =	wrdreg s6  }
0xac: {  	[dreg:$0x4] =	wrdreg $0xC0  }
0xad: {  	_ =	task [dreg:s9], $0x5FFFF  }
0xae: {  	[dreg:$0x1] =	wrdreg $0xFFFFFFFF  }
0xaf: {  	[dreg:$0x0] =	wrdreg $0x60  }
0xb0: {  	[dreg:$0x2] =	wrdreg s2  }
0xb1: {  	[dreg:$0x3] =	wrdreg s19  }
0xb2: {  	[dreg:$0x4] =	wrdreg s4  }
0xb3: {  	[dreg:$0x5] =	wrdreg $0x9  }
0xb4: {  	_ =	task.clear_ibuf [dreg:s9], $0x6FFFF;
	_ =	strace $0x90000046  }
0xb5: {  	s29 =	simm.s32 $0x9;
	_ =	strace $0x80000048  }
0xb6: {  	_ =	swait.ge [sflag:s29], $0x1  }
0xb7: {  	[sflag:s29] =	ssyncadd.s32 $0xFFFFFFFF  }
0xb8: {  	_ =	strace $0x90000048  }
0xb9: {  	_ =	sfence  }
0xba: {  	s30 =	sld [smem:$0x0];
	_ =	sdelay $0x2  }
0xbb: {  	s31 =	sshll.u32 s1, $0xD;
	s1 =	sshrl.u32 s1, $0x2  }
0xbc: {  	s3 =	sand.u32 $0x4000, s31;
	s1 =	sadd.s32 s1, s30  }
0xbd: {  	s0 =	sor.u32 s3, s0;
	s1 =	sshll.u32 s1, $0x11  }
0xbe: {  	s0 =	sor.u32 s1, s0  }
0xbf: {  	s0 =	sadd.s32 $0x8F2B, s0  }
0xc0: {  	[sflag:s0] =	ssyncadd.remote.s32 $0x1  }
0xc1: {  	_ =	sfence.sel $0xFFFF  }
0xc2: {  	[dreg:$0x0] =	wrdreg $0xFFFFFFFF;
	(pc) =	sbr.abs _section_cstart, $3  }
0xc3: {  	[dreg:$0x1] =	wrdreg $0xFFFFFFFF  }
0xc4: {  	_ =	task.clear_ibuf [dreg:s9], $0x2FFFF;
	_ =	strace $0x9FFFFFFF  }
0xc5: {  	(tm) =	ssettm $0x7FFFFFFF  }
tec
execute0_lowered:
.L_overlay_start_1:
0x0: {  	(tag) =	ssettag $0x1  }
0x1: {  	s1 =	srdreg.scid;
	s0 =	stileid.u32  }
0x2: {  	s7 =	sand.u32 $0x1, s1;
	s6 =	sshll.u32 s0, $0x1  }
0x3: {  	s6 =	sor.u32 s7, s6  }
0x4: {  	p0 =	sgt.u32 s6, $0x18  }
.Ltmp0:
0x5: {  	s5 =	rddreg [dreg:$0x0];
	(pc) =	sbr.rel @p0 .LBB2_3-.Ltmp0, $4  }
0x6: {  	s2 =	rddreg [dreg:$0x1]  }
0x7: {  	s4 =	rddreg [dreg:$0x2];
	s3 =	simm.s32 $0x0  }
0x8: {  	[smem:$0x7FF] =	sst s3  }
0x9: {  	s1 =	rddreg [dreg:$0x3];
	_ =	strace $0x80000047  }
0xa: {  	s7 =	ssub.s32 $0x2, s7;
	s8 =	sshll.u32 s6, $0x4;
	s5 =	sadd.s32 s5, s6  }
0xb: {  	s10 =	simm.s32 $0x1;
	s11 =	simm.s32 $0x480;
	s9 =	sshrl.u32 s7, $0x1  }
0xc: {  	s4 =	sadd.s32 s4, s8;
	s8 =	simm.s32 $0x8;
	s7 =	ssub.s32 s7, s9  }
0xd: {  	s9 =	simm.s32 $0x80;
	s6 =	smax.u32 s7, $0x1;
	s7 =	simm.s32 $0x2  }
.LBB2_2:
0xe: {  	[tilespmem:s3], [sflag:$0x2] =	stream.linear.gather [hbm4b:s5+s3], $0x8, $0x38;
	[tilespmem:$0x500] =	vst v63  }
0xf: {  	_ =	swait.ge [sflag:s7], $0x8  }
0x10: {  	[sflag:s7] =	ssyncset.done $0x0  }
0x11: {  	[sflag:s7] =	ssyncadd.s32 $0xFFFFFFF8  }
0x12: {  	[tilespmem:s9], [sflag:$0x1] =	stream.indirect.gather [hbm4b:s2+s8], $0x80, s3, s8, $0xb8;
	[tilespmem:$0x500] =	vst v63  }
0x13: {  	_ =	swait.ge [sflag:s10], $0x400  }
0x14: {  	[sflag:s10] =	ssyncset.done $0x0  }
0x15: {  	[sflag:s10] =	ssyncadd.s32 $0xFFFFFC00  }
0x16: {  	v0 =	vld [tilespmem:$0x80]  }
0x17: {  	v1 =	vld [tilespmem:$0x100]  }
0x18: {  	v2 =	vld [tilespmem:$0x180]  }
0x19: {  	v3 =	vld [tilespmem:$0x200]  }
0x1a: {  	v4 =	vld [tilespmem:$0x280]  }
0x1b: {  	v5 =	vld [tilespmem:$0x300]  }
0x1c: {  	v6 =	vld [tilespmem:$0x380]  }
0x1d: {  	v7 =	vld [tilespmem:$0x400]  }
0x1e: {  	v8 =	vld [tilespmem:$0x90]  }
0x1f: {  	v9 =	vld [tilespmem:$0x110]  }
0x20: {  	v10 =	vld [tilespmem:$0x190]  }
0x21: {  	v11 =	vld [tilespmem:$0x210]  }
0x22: {  	v12 =	vld [tilespmem:$0x290]  }
0x23: {  	v13 =	vld [tilespmem:$0x310]  }
0x24: {  	v14 =	vld [tilespmem:$0x390]  }
0x25: {  	v15 =	vld [tilespmem:$0x410]  }
0x26: {  	v16 =	vld [tilespmem:$0xA0]  }
0x27: {  	v17 =	vld [tilespmem:$0x120]  }
0x28: {  	v18 =	vld [tilespmem:$0x1A0]  }
0x29: {  	v19 =	vld [tilespmem:$0x220]  }
0x2a: {  	v20 =	vld [tilespmem:$0x2A0]  }
0x2b: {  	v21 =	vld [tilespmem:$0x320]  }
0x2c: {  	v22 =	vld [tilespmem:$0x3A0]  }
0x2d: {  	v23 =	vld [tilespmem:$0x420]  }
0x2e: {  	v24 =	vld [tilespmem:$0xB0]  }
0x2f: {  	v25 =	vld [tilespmem:$0x130]  }
0x30: {  	v26 =	vld [tilespmem:$0x1B0]  }
0x31: {  	v27 =	vld [tilespmem:$0x230]  }
0x32: {  	v28 =	vld [tilespmem:$0x2B0]  }
0x33: {  	v29 =	vld [tilespmem:$0x330]  }
0x34: {  	v30 =	vld [tilespmem:$0x3B0]  }
0x35: {  	v31 =	vld [tilespmem:$0x430]  }
0x36: {  	v32 =	vld [tilespmem:$0xC0]  }
0x37: {  	v33 =	vld [tilespmem:$0x140]  }
0x38: {  	v34 =	vld [tilespmem:$0x1C0]  }
0x39: {  	v35 =	vld [tilespmem:$0x240]  }
0x3a: {  	v58 =	vld [tilespmem:$0xD0]  }
0x3b: {  	v60 =	vld [tilespmem:$0x150]  }
0x3c: {  	v36 =	vld [tilespmem:$0x2C0]  }
0x3d: {  	v37 =	vld [tilespmem:$0x340]  }
0x3e: {  	v62 =	vld [tilespmem:$0x1D0];
	v0 =	vadd.f32 v1, v0;
	v8 =	vadd.f32 v9, v8  }
0x3f: {  	v38 =	vld [tilespmem:$0x3C0];
	v59 =	vadd.f32 v17, v16;
	v61 =	vadd.f32 v25, v24  }
0x40: {  	v63 =	vld [tilespmem:$0x250];
	v43 =	vadd.f32 v33, v32;
	v9 =	vadd.f32 v60, v58  }
0x41: {  	v39 =	vld [tilespmem:$0x160];
	v0 =	vadd.f32 v2, v0;
	v8 =	vadd.f32 v10, v8  }
0x42: {  	v40 =	vld [tilespmem:$0xF0];
	v2 =	vadd.f32 v18, v59;
	v10 =	vadd.f32 v26, v61  }
0x43: {  	v41 =	vld [tilespmem:$0x170];
	v18 =	vadd.f32 v34, v43;
	v9 =	vadd.f32 v62, v9  }
0x44: {  	v24 =	vld [tilespmem:$0x2D0];
	v0 =	vadd.f32 v3, v0;
	v8 =	vadd.f32 v11, v8  }
0x45: {  	v42 =	vld [tilespmem:$0x1E0];
	v2 =	vadd.f32 v19, v2;
	v10 =	vadd.f32 v27, v10  }
0x46: {  	v44 =	vld [tilespmem:$0x1F0];
	v48 =	vadd.f32 v35, v18;
	v3 =	vadd.f32 v63, v9  }
0x47: {  	v25 =	vld [tilespmem:$0x350];
	v0 =	vadd.f32 v4, v0;
	v8 =	vadd.f32 v12, v8  }
0x48: {  	v2 =	vadd.f32 v20, v2;
	v10 =	vadd.f32 v28, v10;
	v28 =	vld [tilespmem:$0xE0]  }
0x49: {  	v45 =	vld [tilespmem:$0x260];
	v17 =	vadd.f32 v36, v48;
	v3 =	vadd.f32 v24, v3  }
0x4a: {  	v46 =	vld [tilespmem:$0x270];
	v0 =	vadd.f32 v5, v0;
	v8 =	vadd.f32 v13, v8  }
0x4b: {  	v47 =	vld [tilespmem:$0x2E0];
	v2 =	vadd.f32 v21, v2;
	v10 =	vadd.f32 v29, v10  }
0x4c: {  	v49 =	vld [tilespmem:$0x2F0];
	v53 =	vadd.f32 v37, v17;
	v0 =	vadd.f32 v6, v0  }
0x4d: {  	v50 =	vld [tilespmem:$0x360];
	v3 =	vadd.f32 v25, v3;
	v6 =	vadd.f32 v39, v28  }
0x4e: {  	v26 =	vld [tilespmem:$0x3D0];
	v0 =	vadd.f32 v7, v0;
	v7 =	vadd.f32 v41, v40  }
0x4f: {  	v51 =	vld [tilespmem:$0x370];
	v8 =	vadd.f32 v14, v8;
	v6 =	vadd.f32 v42, v6  }
0x50: {  	v52 =	vld [tilespmem:$0x3E0];
	v2 =	vadd.f32 v22, v2;
	v7 =	vadd.f32 v44, v7  }
0x51: {  	v54 =	vld [tilespmem:$0x3F0];
	v10 =	vadd.f32 v30, v10;
	v6 =	vadd.f32 v45, v6  }
0x52: {  	v27 =	vld [tilespmem:$0x450];
	v57 =	vadd.f32 v38, v53;
	v7 =	vadd.f32 v46, v7  }
0x53: {  	v1 =	vld [tilespmem:$0x440];
	v3 =	vadd.f32 v26, v3;
	v6 =	vadd.f32 v47, v6  }
0x54: {  	v56 =	vld [tilespmem:$0x460];
	v8 =	vadd.f32 v15, v8;
	v55 =	vadd.f32 v49, v7  }
0x55: {  	v58 =	vld [tilespmem:$0x470];
	v2 =	vadd.f32 v23, v2;
	[tilespmem:$0x480] =	vst v0;
	v6 =	vadd.f32 v50, v6  }
0x56: {  	v10 =	vadd.f32 v31, v10;
	[tilespmem:$0x490] =	vst v8;
	v4 =	vadd.f32 v51, v55  }
0x57: {  	v60 =	vadd.f32 v27, v3;
	[tilespmem:$0x4A0] =	vst v2;
	v59 =	vadd.f32 v52, v6  }
0x58: {  	v0 =	vadd.f32 v1, v57;
	[tilespmem:$0x4B0] =	vst v10;
	v61 =	vadd.f32 v54, v4  }
0x59: {  	[tilespmem:$0x4D0] =	vst v60;
	v62 =	vadd.f32 v56, v59  }
0x5a: {  	[tilespmem:$0x4C0] =	vst v0;
	v63 =	vadd.f32 v58, v61  }
0x5b: {  	p0 =	sne.s32 s6, $0x1;
	[tilespmem:$0x4E0] =	vst v62  }
.Ltmp1:
0x5c: {  	[tilespmem:$0x4F0] =	vst v63;
	(pc) =	sbr.rel @p0 .LBB2_2-.Ltmp1, $4  }
0x5d: {  	[hbm4b:s4+s3] =	stream.linear.scatter [tilespmem:s11], [sflag:$0x2], $0x80, $0x38;
	[tilespmem:$0x500] =	vst v63  }
0x5e: {  	_ =	swait.ge [sflag:s7], $0x80  }
0x5f: {  	[sflag:s7] =	ssyncset.done $0x0  }
0x60: {  	s6 =	sadd.s32 $0xFFFFFFFF, s6;
	[sflag:s7] =	ssyncadd.s32 $0xFFFFFF80  }
.LBB2_3:
0x61: {  	_ =	sfence.sel $0x180000  }
0x62: {  	[bflag:$0x0] =	sbarrier.arrive $0xFFFF  }
0x63: {  	p0 =	sne.s32 s0, $0x0;
	_ =	strace $0x90000047  }
0x64: {  	s0 =	sadd.s32 @!p0 $0x100000, s1;
	[bflag:$0x2] =	sbarrier.arrive $0xFFFF  }
0x65: {  	[sflag:s0] =	ssyncadd.tile.s32 @!p0 $0x1;
	_ =	shalt  }
.Lfunc_end2:
_tile_overlayer_lowered:
.L_overlay_start_2:
0x66: {  	(tag) =	ssettag $0x2  }
0x67: {  	s0 =	rddreg [dreg:$0x0];
	s2 =	stileid.u32  }
0x68: {  	s1 =	rddreg [dreg:$0x1];
	p0 =	sne.s32 s2, $0x0  }
0x69: {  	s3 =	rddreg [dreg:$0x2];
	[bflag:$0x3] =	sbarrier.arrive $0xFFFF;
	s2 =	simm.s32 @!p0 $0x1C02  }
0x6a: {  	[timem:s3], [sflag:s2] =	dma.local @!p0 [hbm:s0], s1  }
0x6b: {  	s0 =	simm.s32 @!p0 $0x2  }
0x6c: {  	_ =	swait.ge @!p0 [sflag:s0], s1  }
0x6d: {  	s1 =	ssub.s32 @!p0 $0x0, s1;
	[sflag:s0] =	ssyncset.done @!p0 $0x0  }
0x6e: {  	[sflag:s0] =	ssyncadd.s32 @!p0 s1  }
0x6f: {  	[bflag:$0x3] =	sbarrier.arrive $0xFFFF  }
0x70: {  	_ =	shalt  }

</sc_bundles>
